<compile_context>
chip_gen: v7x
topology: tpu7x:2x2x1
jax: 0.10.2.dev20260603
libtpu: 0.0.44.dev20260713+nightly
codegen_flags: <defaults>
</compile_context>

<pallas_src>
import jax
import jax.numpy as jnp
from jax.experimental import pallas as pl
from jax.experimental.pallas import tpu as pltpu

B = 128
V = 100000
NBLK = 784
VP = NBLK * 128
TILES = 49
TBLK = 16
VREGS_PER_TILE = 256
CHUNK = 962
OHW = 2048


def _halving(acc):
    a = acc[0:4, :] + acc[4:8, :]
    b = a[0:2, :] + a[2:4, :]
    return b[0:1, :] + b[1:2, :]


def _main_kernel(in_ref, u_ref, ix_ref,
                 acc8, ssum, rcp, l2run, ex3, cexn, cnt, lscr):
    i = pl.program_id(0)

    @pl.when(i == 0)
    def _init():
        acc8[...] = jnp.zeros((8, B), jnp.float32)
        ssum[...] = jnp.zeros((1, B), jnp.float32)
        l2run[...] = jnp.zeros((1, B), jnp.float32)
        ex3[...] = jnp.zeros((1, B), jnp.float32)
        cexn[...] = jnp.zeros((1, B), jnp.float32)
        cnt[...] = jnp.zeros((1, B), jnp.int32)

    @pl.when(i < TILES)
    def _sum_sweep():
        base = i * VREGS_PER_TILE

        def fold(lo, hi, acc):
            def body(k, a):
                jo = jax.lax.rem(k, TBLK)
                bb = jax.lax.div(k, TBLK)
                v = in_ref[pl.ds(jo * 8, 8), bb, :].reshape(8, B)
                return a + v
            return jax.lax.fori_loop(lo, hi, body, acc)

        kstar = jax.lax.rem(CHUNK - jax.lax.rem(base, CHUNK), CHUNK)
        kstar = jnp.where(i == 0, CHUNK, kstar)
        kk = jnp.minimum(kstar, VREGS_PER_TILE)
        acc = fold(0, kk, acc8[...])
        did = kstar < VREGS_PER_TILE
        part = _halving(acc)
        ssum[...] = jnp.where(did, ssum[...] + part, ssum[...])
        acc = jnp.where(did, jnp.zeros_like(acc), acc)
        acc8[...] = fold(kk, VREGS_PER_TILE, acc)

        @pl.when(i == TILES - 1)
        def _finalize():
            rcp[...] = jnp.float32(1.0) / ssum[...]

    @pl.when(i >= TILES)
    def _scan_sweep():
        j_tile = i - TILES
        r = rcp[...]

        def body(jj, runs):
            v = in_ref[jj, :, :].reshape(TBLK, B)
            runs = runs + v * r
            lscr[jj, :, :] = runs
            return runs

        runs0 = jnp.zeros((TBLK, B), jnp.float32)
        bsums = jax.lax.fori_loop(0, 128, body, runs0)

        l2 = l2run[...]
        e3 = ex3[...]
        cx = cexn[...]
        g0 = jax.lax.rem(j_tile, 8) == 0
        e3 = jnp.where(g0, e3 + l2, e3)
        l2 = jnp.where(g0, jnp.zeros_like(l2), l2)
        cex_rows = []
        for bb in range(TBLK):
            l2 = l2 + bsums[bb:bb + 1, :]
            cincl = l2 + e3
            cex_rows.append(cx)
            cx = cincl
        l2run[...] = l2
        ex3[...] = e3
        cexn[...] = cx
        cex16 = jnp.concatenate(cex_rows, axis=0)

        u = u_ref[...]
        tile_v0 = j_tile * (TBLK * 128)
        total = jnp.zeros((1, B), jnp.int32)
        for jc in range(8):
            lpart = lscr[jc * 16:(jc + 1) * 16, :, :]
            cdf = lpart + cex16[None, :, :]
            jj = jax.lax.broadcasted_iota(jnp.int32, (16, TBLK, B), 0)
            bb = jax.lax.broadcasted_iota(jnp.int32, (16, TBLK, B), 1)
            vglob = tile_v0 + bb * 128 + (jc * 16 + jj)
            pred = (cdf < u[None, :, :]) & (vglob < V)
            c = jnp.sum(pred.astype(jnp.int32), axis=(0, 1))
            total = total + c.reshape(1, B)
        cnt[...] = cnt[...] + total

        @pl.when(i == 2 * TILES - 1)
        def _emit():
            ix_ref[...] = jnp.clip(cnt[...], 0, V - 1)


def _onehot_kernel(ix_ref, out_ref):
    i = pl.program_id(0)
    col = jax.lax.broadcasted_iota(jnp.int32, (B, OHW), 1) + i * OHW
    out_ref[...] = (col == ix_ref[...]).astype(jnp.float32)


def kernel(probs):
    u = jax.random.uniform(jax.random.key(42), (B, 1), dtype=probs.dtype)
    u_lanes = u.reshape(1, B)

    ppad = jnp.pad(probs, ((0, 0), (0, VP - V)))
    ptj = jnp.transpose(ppad.reshape(B, NBLK, 128), (2, 1, 0))

    ix = pl.pallas_call(
        _main_kernel,
        grid=(2 * TILES,),
        in_specs=[
            pl.BlockSpec((128, TBLK, B), lambda i: (0, i % TILES, 0)),
            pl.BlockSpec((1, B), lambda i: (0, 0)),
        ],
        out_specs=pl.BlockSpec((1, B), lambda i: (0, 0)),
        out_shape=jax.ShapeDtypeStruct((1, B), jnp.int32),
        scratch_shapes=[
            pltpu.VMEM((8, B), jnp.float32),
            pltpu.VMEM((1, B), jnp.float32),
            pltpu.VMEM((1, B), jnp.float32),
            pltpu.VMEM((1, B), jnp.float32),
            pltpu.VMEM((1, B), jnp.float32),
            pltpu.VMEM((1, B), jnp.float32),
            pltpu.VMEM((1, B), jnp.int32),
            pltpu.VMEM((128, TBLK, B), jnp.float32),
        ],
    )(ptj, u_lanes)

    ixn = ix.reshape(B, 1)
    onehot = pl.pallas_call(
        _onehot_kernel,
        grid=(TILES,),
        in_specs=[pl.BlockSpec((B, 1), lambda i: (0, 0))],
        out_specs=pl.BlockSpec((B, OHW), lambda i: (0, i)),
        out_shape=jax.ShapeDtypeStruct((B, V), jnp.float32),
    )(ixn)
    return onehot

# --- scband reference (transcript-rebuilt; emitter-appended) ---
"""Pipeline reference for scband-multinomial-sampler-2954937500041 (READ-ONLY COPY).

The authoritative reference and input builder live on the scoring server;
editing this copy changes nothing except your own understanding.
"""

import jax, jax.numpy as jnp
import numpy as np


def setup_inputs(seed: int = 0) -> dict:
    key = jax.random.key(seed)
    probs = jax.random.uniform(key, (128, 100000), dtype=jnp.float32)
    return {"probs": probs}


def reference(probs):
    # torch.multinomial(probs, 1): normalize non-negative weights, sample one
    # category per row via inverse-CDF with a uniform variate.
    B, V = probs.shape
    norm = probs / jnp.sum(probs, axis=-1, keepdims=True)
    cdf = jnp.cumsum(norm, axis=-1)
    u = jax.random.uniform(jax.random.key(42), (B, 1), dtype=probs.dtype)
    # inverse-CDF sample: first index where cdf >= u
    ix = jnp.sum((cdf < u).astype(jnp.int32), axis=-1)
    ix = jnp.clip(ix, 0, V - 1)
    # .squeeze() in torch gives shape [B]; F.one_hot -> [B, num_classes].
    # torch infers num_classes = max(ix)+1 (data-dependent); we use the full
    # vocab V for a static shape, which is the intended class count.
    one_hot = jax.nn.one_hot(ix, V, dtype=jnp.float32)
    return one_hot

if __name__ == "__main__":
    import jax
    _d = setup_inputs()
    print(jax.jit(kernel)(*tuple(_d.values())))

</pallas_src>

<mosaic_0001>
module attributes {stable_mosaic.version = 14 : i64} {
  func.func @_onehot_kernel(%arg0: i32, %arg1: memref<128x1xi32, #tpu.memory_space<vmem>>, %arg2: memref<128x2048xf32, #tpu.memory_space<vmem>>) attributes {dimension_semantics = [#tpu.dimension_semantics<arbitrary>], iteration_bounds = array<i64: 49>, scalar_prefetch = 0 : i64, scratch_operands = 0 : i64, tpu.core_type = #tpu.core_type<tc>, window_params = [{pipeline_mode = #tpu.pipeline_mode<synchronous>, transform_indices = @transform_0, window_bounds = array<i64: 128, 1>}, {transform_indices = @transform_1, window_bounds = array<i64: 128, 2048>}]} {
    %iota3A = tpu.iota {dimensions = array<i32: 1>} : vector<128x2048xi32>
    %mul3A = arith.constant 2048 : i32
    %mul3A_0 = arith.muli %arg0, %mul3A : i32
    %add3A = vector.broadcast %mul3A_0 : i32 to vector<128x2048xi32>
    %add3A_1 = arith.addi %iota3A, %add3A : vector<128x2048xi32>
    %get3A = arith.constant 0 : index
    %get3A_2 = arith.constant 0 : index
    %get3A_3 = vector.load %arg1[%get3A, %get3A_2] : memref<128x1xi32, #tpu.memory_space<vmem>>, vector<128x1xi32>
    %eq3A = vector.broadcast %get3A_3 : vector<128x1xi32> to vector<128x2048xi32>
    %eq3A_4 = arith.cmpi eq, %add3A_1, %eq3A : vector<128x2048xi32>
    %convert_element_type3A = arith.extui %eq3A_4 : vector<128x2048xi1> to vector<128x2048xi32>
    %convert_element_type3A_5 = arith.sitofp %convert_element_type3A : vector<128x2048xi32> to vector<128x2048xf32>
    %swap3A = arith.constant 0 : index
    %swap3A_6 = arith.constant 0 : index
    %swap3A_7 = vector.load %arg2[%swap3A, %swap3A_6] : memref<128x2048xf32, #tpu.memory_space<vmem>>, vector<128x2048xf32>
    tpu.vector_store %arg2[%swap3A, %swap3A_6], %convert_element_type3A_5 {strides = array<i32>} : memref<128x2048xf32, #tpu.memory_space<vmem>>, vector<128x2048xf32>,
    return
  }
  func.func @transform_0(%arg0: i32) -> (i32, i32) {
    %c0_i32 = arith.constant 0 : i32
    %c0_i32_0 = arith.constant 0 : i32
    %c0_i32_1 = arith.constant 0 : i32
    return %c0_i32, %c0_i32_0 : i32, i32
  }
  func.func @transform_1(%arg0: i32) -> (i32, i32) {
    %c0_i32 = arith.constant 0 : i32
    %c0_i32_0 = arith.constant 0 : i32
    return %c0_i32, %arg0 : i32, i32
  }
}

module attributes {stable_mosaic.version = 14 : i64} {
  func.func @_main_kernel(%arg0: i32, %arg1: memref<128x16x128xf32, #tpu.memory_space<vmem>>, %arg2: memref<1x128xf32, #tpu.memory_space<vmem>>, %arg3: memref<1x128xi32, #tpu.memory_space<vmem>>, %arg4: memref<8x128xf32, #tpu.memory_space<vmem>>, %arg5: memref<1x128xf32, #tpu.memory_space<vmem>>, %arg6: memref<1x128xf32, #tpu.memory_space<vmem>>, %arg7: memref<1x128xf32, #tpu.memory_space<vmem>>, %arg8: memref<1x128xf32, #tpu.memory_space<vmem>>, %arg9: memref<1x128xf32, #tpu.memory_space<vmem>>, %arg10: memref<1x128xi32, #tpu.memory_space<vmem>>, %arg11: memref<128x16x128xf32, #tpu.memory_space<vmem>>) attributes {dimension_semantics = [#tpu.dimension_semantics<arbitrary>], iteration_bounds = array<i64: 98>, scalar_prefetch = 0 : i64, scratch_operands = 8 : i64, tpu.core_type = #tpu.core_type<tc>, window_params = [{transform_indices = @transform_0, window_bounds = array<i64: 128, 16, 128>}, {pipeline_mode = #tpu.pipeline_mode<synchronous>, transform_indices = @transform_1, window_bounds = array<i64: 1, 128>}, {pipeline_mode = #tpu.pipeline_mode<synchronous>, transform_indices = @transform_2, window_bounds = array<i64: 1, 128>}]} {
    %eq3A = arith.constant 0 : i32
    %eq3A_0 = arith.cmpi eq, %arg0, %eq3A : i32
    %convert_element_type3A = arith.extui %eq3A_0 : i1 to i32
    %cond3A = arith.constant 0 : i32
    %cond3A_1 = arith.cmpi ne, %convert_element_type3A, %cond3A : i32
    scf.if %cond3A_1 {
      %broadcast_in_dim3A = arith.constant 0.000000e+00 : f32
      %broadcast_in_dim3A_10 = vector.broadcast %broadcast_in_dim3A : f32 to vector<8x128xf32>
      %swap3A = arith.constant 0 : index
      %swap3A_11 = arith.constant 0 : index
      %swap3A_12 = vector.load %arg4[%swap3A, %swap3A_11] : memref<8x128xf32, #tpu.memory_space<vmem>>, vector<8x128xf32>
      tpu.vector_store %arg4[%swap3A, %swap3A_11], %broadcast_in_dim3A_10 {strides = array<i32>} : memref<8x128xf32, #tpu.memory_space<vmem>>, vector<8x128xf32>,
      %broadcast_in_dim3A_13 = arith.constant 0.000000e+00 : f32
      %broadcast_in_dim3A_14 = vector.broadcast %broadcast_in_dim3A_13 : f32 to vector<1x128xf32>
      %swap3A_15 = arith.constant 0 : index
      %swap3A_16 = arith.constant 0 : index
      %swap3A_17 = vector.load %arg5[%swap3A_15, %swap3A_16] : memref<1x128xf32, #tpu.memory_space<vmem>>, vector<1x128xf32>
      tpu.vector_store %arg5[%swap3A_15, %swap3A_16], %broadcast_in_dim3A_14 {strides = array<i32>} : memref<1x128xf32, #tpu.memory_space<vmem>>, vector<1x128xf32>,
      %broadcast_in_dim3A_18 = arith.constant 0.000000e+00 : f32
      %broadcast_in_dim3A_19 = vector.broadcast %broadcast_in_dim3A_18 : f32 to vector<1x128xf32>
      %swap3A_20 = arith.constant 0 : index
      %swap3A_21 = arith.constant 0 : index
      %swap3A_22 = vector.load %arg7[%swap3A_20, %swap3A_21] : memref<1x128xf32, #tpu.memory_space<vmem>>, vector<1x128xf32>
      tpu.vector_store %arg7[%swap3A_20, %swap3A_21], %broadcast_in_dim3A_19 {strides = array<i32>} : memref<1x128xf32, #tpu.memory_space<vmem>>, vector<1x128xf32>,
      %broadcast_in_dim3A_23 = arith.constant 0.000000e+00 : f32
      %broadcast_in_dim3A_24 = vector.broadcast %broadcast_in_dim3A_23 : f32 to vector<1x128xf32>
      %swap3A_25 = arith.constant 0 : index
      %swap3A_26 = arith.constant 0 : index
      %swap3A_27 = vector.load %arg8[%swap3A_25, %swap3A_26] : memref<1x128xf32, #tpu.memory_space<vmem>>, vector<1x128xf32>
      tpu.vector_store %arg8[%swap3A_25, %swap3A_26], %broadcast_in_dim3A_24 {strides = array<i32>} : memref<1x128xf32, #tpu.memory_space<vmem>>, vector<1x128xf32>,
      %broadcast_in_dim3A_28 = arith.constant 0.000000e+00 : f32
      %broadcast_in_dim3A_29 = vector.broadcast %broadcast_in_dim3A_28 : f32 to vector<1x128xf32>
      %swap3A_30 = arith.constant 0 : index
      %swap3A_31 = arith.constant 0 : index
      %swap3A_32 = vector.load %arg9[%swap3A_30, %swap3A_31] : memref<1x128xf32, #tpu.memory_space<vmem>>, vector<1x128xf32>
      tpu.vector_store %arg9[%swap3A_30, %swap3A_31], %broadcast_in_dim3A_29 {strides = array<i32>} : memref<1x128xf32, #tpu.memory_space<vmem>>, vector<1x128xf32>,
      %broadcast_in_dim3A_33 = arith.constant 0 : i32
      %broadcast_in_dim3A_34 = vector.broadcast %broadcast_in_dim3A_33 : i32 to vector<1x128xi32>
      %swap3A_35 = arith.constant 0 : index
      %swap3A_36 = arith.constant 0 : index
      %swap3A_37 = vector.load %arg10[%swap3A_35, %swap3A_36] : memref<1x128xi32, #tpu.memory_space<vmem>>, vector<1x128xi32>
      tpu.vector_store %arg10[%swap3A_35, %swap3A_36], %broadcast_in_dim3A_34 {strides = array<i32>} : memref<1x128xi32, #tpu.memory_space<vmem>>, vector<1x128xi32>,
    } else {
    }
    %lt3A = arith.constant 49 : i32
    %lt3A_2 = arith.cmpi slt, %arg0, %lt3A : i32
    %convert_element_type3A_3 = arith.extui %lt3A_2 : i1 to i32
    %cond3A_4 = arith.constant 0 : i32
    %cond3A_5 = arith.cmpi ne, %convert_element_type3A_3, %cond3A_4 : i32
    scf.if %cond3A_5 {
      %mul3A = arith.constant 256 : i32
      %mul3A_10 = arith.muli %arg0, %mul3A : i32
      %rem3A = arith.constant 962 : i32
      %rem3A_11 = arith.remsi %mul3A_10, %rem3A : i32
      %sub3A = arith.constant 962 : i32
      %sub3A_12 = arith.subi %sub3A, %rem3A_11 : i32
      %rem3A_13 = arith.constant 962 : i32
      %rem3A_14 = arith.remsi %sub3A_12, %rem3A_13 : i32
      %eq3A_15 = arith.constant 0 : i32
      %eq3A_16 = arith.cmpi eq, %arg0, %eq3A_15 : i32
      %jit3A = arith.constant 962 : i32
      %select_n3A = arith.select %eq3A_16, %jit3A, %rem3A_14 : i32
      %min3A = arith.constant 256 : i32
      %min3A_17 = arith.minsi %select_n3A, %min3A : i32
      %get3A = arith.constant 0 : index
      %get3A_18 = arith.constant 0 : index
      %get3A_19 = vector.load %arg4[%get3A, %get3A_18] : memref<8x128xf32, #tpu.memory_space<vmem>>, vector<8x128xf32>
      %while3A = arith.constant 0 : i32
      %while3A_20 = arith.subi %min3A_17, %while3A : i32
      %while3A_21 = arith.addi %while3A, %while3A_20 : i32
      %while3A_22 = arith.constant 1 : i32
      %while3A_23 = arith.divsi %while3A_20, %while3A_22 : i32
      %while3A_24 = arith.muli %while3A_23, %while3A_22 : i32
      %while3A_25 = arith.addi %while3A, %while3A_24 : i32
      %while3A_26 = arith.constant 1 : i32
      %while3A_27 = scf.for %while3A_70 = %while3A to %while3A_25 step %while3A_26 iter_args(%while3A_71 = %get3A_19) -> (vector<8x128xf32>)  : i32 {
        %rem3A_72 = arith.constant 16 : i32
        %rem3A_73 = arith.remsi %while3A_70, %rem3A_72 : i32
        %div3A = arith.constant 16 : i32
        %div3A_74 = arith.divsi %while3A_70, %div3A : i32
        %mul3A_75 = arith.constant 8 : i32
        %mul3A_76 = arith.muli %rem3A_73, %mul3A_75 : i32
        %get3A_77 = arith.index_cast %mul3A_76 : i32 to index
        %get3A_78 = arith.index_cast %div3A_74 : i32 to index
        %get3A_79 = arith.constant 0 : index
        %get3A_80 = vector.load %arg1[%get3A_77, %get3A_78, %get3A_79] : memref<128x16x128xf32, #tpu.memory_space<vmem>>, vector<8x1x128xf32>
        %get3A_81 = vector.shape_cast %get3A_80 : vector<8x1x128xf32> to vector<8x128xf32>
        %add3A_82 = arith.addf %while3A_71, %get3A_81 : vector<8x128xf32>
        scf.yield %add3A_82 : vector<8x128xf32>
      }
      %while3A_28 = arith.constant 1 : i32
      %while3A_29 = scf.for %while3A_70 = %while3A_25 to %while3A_21 step %while3A_28 iter_args(%while3A_71 = %while3A_27) -> (vector<8x128xf32>)  : i32 {
        %rem3A_72 = arith.constant 16 : i32
        %rem3A_73 = arith.remsi %while3A_70, %rem3A_72 : i32
        %div3A = arith.constant 16 : i32
        %div3A_74 = arith.divsi %while3A_70, %div3A : i32
        %mul3A_75 = arith.constant 8 : i32
        %mul3A_76 = arith.muli %rem3A_73, %mul3A_75 : i32
        %get3A_77 = arith.index_cast %mul3A_76 : i32 to index
        %get3A_78 = arith.index_cast %div3A_74 : i32 to index
        %get3A_79 = arith.constant 0 : index
        %get3A_80 = vector.load %arg1[%get3A_77, %get3A_78, %get3A_79] : memref<128x16x128xf32, #tpu.memory_space<vmem>>, vector<8x1x128xf32>
        %get3A_81 = vector.shape_cast %get3A_80 : vector<8x1x128xf32> to vector<8x128xf32>
        %add3A_82 = arith.addf %while3A_71, %get3A_81 : vector<8x128xf32>
        scf.yield %add3A_82 : vector<8x128xf32>
      }
      %lt3A_30 = arith.constant 256 : i32
      %lt3A_31 = arith.cmpi slt, %select_n3A, %lt3A_30 : i32
      %slice3A = vector.extract_strided_slice %while3A_29 {offsets = [0, 0], sizes = [4, 128], strides = [1, 1]} : vector<8x128xf32> to vector<4x128xf32>
      %slice3A_32 = vector.extract_strided_slice %while3A_29 {offsets = [4, 0], sizes = [4, 128], strides = [1, 1]} : vector<8x128xf32> to vector<4x128xf32>
      %add3A = arith.addf %slice3A, %slice3A_32 : vector<4x128xf32>
      %slice3A_33 = vector.extract_strided_slice %add3A {offsets = [0, 0], sizes = [2, 128], strides = [1, 1]} : vector<4x128xf32> to vector<2x128xf32>
      %slice3A_34 = vector.extract_strided_slice %add3A {offsets = [2, 0], sizes = [2, 128], strides = [1, 1]} : vector<4x128xf32> to vector<2x128xf32>
      %add3A_35 = arith.addf %slice3A_33, %slice3A_34 : vector<2x128xf32>
      %slice3A_36 = vector.extract_strided_slice %add3A_35 {offsets = [0, 0], sizes = [1, 128], strides = [1, 1]} : vector<2x128xf32> to vector<1x128xf32>
      %slice3A_37 = vector.extract_strided_slice %add3A_35 {offsets = [1, 0], sizes = [1, 128], strides = [1, 1]} : vector<2x128xf32> to vector<1x128xf32>
      %add3A_38 = arith.addf %slice3A_36, %slice3A_37 : vector<1x128xf32>
      %get3A_39 = arith.constant 0 : index
      %get3A_40 = arith.constant 0 : index
      %get3A_41 = vector.load %arg5[%get3A_39, %get3A_40] : memref<1x128xf32, #tpu.memory_space<vmem>>, vector<1x128xf32>
      %add3A_42 = arith.addf %get3A_41, %add3A_38 : vector<1x128xf32>
      %get3A_43 = arith.constant 0 : index
      %get3A_44 = arith.constant 0 : index
      %get3A_45 = vector.load %arg5[%get3A_43, %get3A_44] : memref<1x128xf32, #tpu.memory_space<vmem>>, vector<1x128xf32>
      %select_n3A_46 = arith.select %lt3A_31, %add3A_42, %get3A_45 : vector<1x128xf32>
      %swap3A = arith.constant 0 : index
      %swap3A_47 = arith.constant 0 : index
      %swap3A_48 = vector.load %arg5[%swap3A, %swap3A_47] : memref<1x128xf32, #tpu.memory_space<vmem>>, vector<1x128xf32>
      tpu.vector_store %arg5[%swap3A, %swap3A_47], %select_n3A_46 {strides = array<i32>} : memref<1x128xf32, #tpu.memory_space<vmem>>, vector<1x128xf32>,
      %broadcast_in_dim3A = arith.constant 0.000000e+00 : f32
      %broadcast_in_dim3A_49 = vector.broadcast %broadcast_in_dim3A : f32 to vector<8x128xf32>
      %select_n3A_50 = arith.select %lt3A_31, %broadcast_in_dim3A_49, %while3A_29 : vector<8x128xf32>
      %while3A_51 = arith.constant 256 : i32
      %while3A_52 = arith.subi %while3A_51, %min3A_17 : i32
      %while3A_53 = arith.addi %min3A_17, %while3A_52 : i32
      %while3A_54 = arith.constant 1 : i32
      %while3A_55 = arith.divsi %while3A_52, %while3A_54 : i32
      %while3A_56 = arith.muli %while3A_55, %while3A_54 : i32
      %while3A_57 = arith.addi %min3A_17, %while3A_56 : i32
      %while3A_58 = arith.constant 1 : i32
      %while3A_59 = scf.for %while3A_70 = %min3A_17 to %while3A_57 step %while3A_58 iter_args(%while3A_71 = %select_n3A_50) -> (vector<8x128xf32>)  : i32 {
        %rem3A_72 = arith.constant 16 : i32
        %rem3A_73 = arith.remsi %while3A_70, %rem3A_72 : i32
        %div3A = arith.constant 16 : i32
        %div3A_74 = arith.divsi %while3A_70, %div3A : i32
        %mul3A_75 = arith.constant 8 : i32
        %mul3A_76 = arith.muli %rem3A_73, %mul3A_75 : i32
        %get3A_77 = arith.index_cast %mul3A_76 : i32 to index
        %get3A_78 = arith.index_cast %div3A_74 : i32 to index
        %get3A_79 = arith.constant 0 : index
        %get3A_80 = vector.load %arg1[%get3A_77, %get3A_78, %get3A_79] : memref<128x16x128xf32, #tpu.memory_space<vmem>>, vector<8x1x128xf32>
        %get3A_81 = vector.shape_cast %get3A_80 : vector<8x1x128xf32> to vector<8x128xf32>
        %add3A_82 = arith.addf %while3A_71, %get3A_81 : vector<8x128xf32>
        scf.yield %add3A_82 : vector<8x128xf32>
      }
      %while3A_60 = arith.constant 1 : i32
      %while3A_61 = scf.for %while3A_70 = %while3A_57 to %while3A_53 step %while3A_60 iter_args(%while3A_71 = %while3A_59) -> (vector<8x128xf32>)  : i32 {
        %rem3A_72 = arith.constant 16 : i32
        %rem3A_73 = arith.remsi %while3A_70, %rem3A_72 : i32
        %div3A = arith.constant 16 : i32
        %div3A_74 = arith.divsi %while3A_70, %div3A : i32
        %mul3A_75 = arith.constant 8 : i32
        %mul3A_76 = arith.muli %rem3A_73, %mul3A_75 : i32
        %get3A_77 = arith.index_cast %mul3A_76 : i32 to index
        %get3A_78 = arith.index_cast %div3A_74 : i32 to index
        %get3A_79 = arith.constant 0 : index
        %get3A_80 = vector.load %arg1[%get3A_77, %get3A_78, %get3A_79] : memref<128x16x128xf32, #tpu.memory_space<vmem>>, vector<8x1x128xf32>
        %get3A_81 = vector.shape_cast %get3A_80 : vector<8x1x128xf32> to vector<8x128xf32>
        %add3A_82 = arith.addf %while3A_71, %get3A_81 : vector<8x128xf32>
        scf.yield %add3A_82 : vector<8x128xf32>
      }
      %swap3A_62 = arith.constant 0 : index
      %swap3A_63 = arith.constant 0 : index
      %swap3A_64 = vector.load %arg4[%swap3A_62, %swap3A_63] : memref<8x128xf32, #tpu.memory_space<vmem>>, vector<8x128xf32>
      tpu.vector_store %arg4[%swap3A_62, %swap3A_63], %while3A_61 {strides = array<i32>} : memref<8x128xf32, #tpu.memory_space<vmem>>, vector<8x128xf32>,
      %eq3A_65 = arith.constant 48 : i32
      %eq3A_66 = arith.cmpi eq, %arg0, %eq3A_65 : i32
      %convert_element_type3A_67 = arith.extui %eq3A_66 : i1 to i32
      %cond3A_68 = arith.constant 0 : i32
      %cond3A_69 = arith.cmpi ne, %convert_element_type3A_67, %cond3A_68 : i32
      scf.if %cond3A_69 {
        %get3A_70 = arith.constant 0 : index
        %get3A_71 = arith.constant 0 : index
        %get3A_72 = vector.load %arg5[%get3A_70, %get3A_71] : memref<1x128xf32, #tpu.memory_space<vmem>>, vector<1x128xf32>
        %div3A = arith.constant 1.000000e+00 : f32
        %div3A_73 = vector.broadcast %div3A : f32 to vector<1x128xf32>
        %div3A_74 = arith.divf %div3A_73, %get3A_72 : vector<1x128xf32>
        %swap3A_75 = arith.constant 0 : index
        %swap3A_76 = arith.constant 0 : index
        %swap3A_77 = vector.load %arg6[%swap3A_75, %swap3A_76] : memref<1x128xf32, #tpu.memory_space<vmem>>, vector<1x128xf32>
        tpu.vector_store %arg6[%swap3A_75, %swap3A_76], %div3A_74 {strides = array<i32>} : memref<1x128xf32, #tpu.memory_space<vmem>>, vector<1x128xf32>,
      } else {
      }
    } else {
    }
    %ge3A = arith.constant 49 : i32
    %ge3A_6 = arith.cmpi sge, %arg0, %ge3A : i32
    %convert_element_type3A_7 = arith.extui %ge3A_6 : i1 to i32
    %cond3A_8 = arith.constant 0 : i32
    %cond3A_9 = arith.cmpi ne, %convert_element_type3A_7, %cond3A_8 : i32
    scf.if %cond3A_9 {
      %sub3A = arith.constant 49 : i32
      %sub3A_10 = arith.subi %arg0, %sub3A : i32
      %get3A = arith.constant 0 : index
      %get3A_11 = arith.constant 0 : index
      %get3A_12 = vector.load %arg6[%get3A, %get3A_11] : memref<1x128xf32, #tpu.memory_space<vmem>>, vector<1x128xf32>
      %broadcast_in_dim3A = arith.constant 0.000000e+00 : f32
      %broadcast_in_dim3A_13 = vector.broadcast %broadcast_in_dim3A : f32 to vector<16x128xf32>
      %scan3A = arith.constant 0 : i32
      %scan3A_14 = arith.constant 128 : i32
      %scan3A_15 = arith.addi %scan3A, %scan3A_14 : i32
      %scan3A_16 = arith.constant 1 : i32
      %scan3A_17 = scf.for %scan3A_343 = %scan3A to %scan3A_15 step %scan3A_16 iter_args(%scan3A_344 = %broadcast_in_dim3A_13) -> (vector<16x128xf32>)  : i32 {
        %get3A_345 = arith.index_cast %scan3A_343 : i32 to index
        %get3A_346 = arith.constant 0 : index
        %get3A_347 = arith.constant 0 : index
        %get3A_348 = vector.load %arg1[%get3A_345, %get3A_346, %get3A_347] : memref<128x16x128xf32, #tpu.memory_space<vmem>>, vector<1x16x128xf32>
        %get3A_349 = vector.shape_cast %get3A_348 : vector<1x16x128xf32> to vector<16x128xf32>
        %mul3A_350 = vector.broadcast %get3A_12 : vector<1x128xf32> to vector<16x128xf32>
        %mul3A_351 = arith.mulf %get3A_349, %mul3A_350 : vector<16x128xf32>
        %add3A_352 = arith.addf %scan3A_344, %mul3A_351 : vector<16x128xf32>
        %swap3A_353 = arith.index_cast %scan3A_343 : i32 to index
        %swap3A_354 = arith.constant 0 : index
        %swap3A_355 = arith.constant 0 : index
        %swap3A_356 = vector.load %arg11[%swap3A_353, %swap3A_354, %swap3A_355] : memref<128x16x128xf32, #tpu.memory_space<vmem>>, vector<1x16x128xf32>
        %swap3A_357 = vector.shape_cast %swap3A_356 : vector<1x16x128xf32> to vector<16x128xf32>
        %swap3A_358 = vector.shape_cast %add3A_352 : vector<16x128xf32> to vector<1x16x128xf32>
        tpu.vector_store %arg11[%swap3A_353, %swap3A_354, %swap3A_355], %swap3A_358 {strides = array<i32>} : memref<128x16x128xf32, #tpu.memory_space<vmem>>, vector<1x16x128xf32>,
        scf.yield %add3A_352 : vector<16x128xf32>
      }
      %scan3A_18 = arith.constant 128 : i32
      %get3A_19 = arith.constant 0 : index
      %get3A_20 = arith.constant 0 : index
      %get3A_21 = vector.load %arg7[%get3A_19, %get3A_20] : memref<1x128xf32, #tpu.memory_space<vmem>>, vector<1x128xf32>
      %get3A_22 = arith.constant 0 : index
      %get3A_23 = arith.constant 0 : index
      %get3A_24 = vector.load %arg8[%get3A_22, %get3A_23] : memref<1x128xf32, #tpu.memory_space<vmem>>, vector<1x128xf32>
      %get3A_25 = arith.constant 0 : index
      %get3A_26 = arith.constant 0 : index
      %get3A_27 = vector.load %arg9[%get3A_25, %get3A_26] : memref<1x128xf32, #tpu.memory_space<vmem>>, vector<1x128xf32>
      %rem3A = arith.constant 8 : i32
      %rem3A_28 = arith.remsi %sub3A_10, %rem3A : i32
      %eq3A_29 = arith.constant 0 : i32
      %eq3A_30 = arith.cmpi eq, %rem3A_28, %eq3A_29 : i32
      %add3A = arith.addf %get3A_24, %get3A_21 : vector<1x128xf32>
      %select_n3A = arith.select %eq3A_30, %add3A, %get3A_24 : vector<1x128xf32>
      %broadcast_in_dim3A_31 = arith.constant 0.000000e+00 : f32
      %broadcast_in_dim3A_32 = vector.broadcast %broadcast_in_dim3A_31 : f32 to vector<1x128xf32>
      %select_n3A_33 = arith.select %eq3A_30, %broadcast_in_dim3A_32, %get3A_21 : vector<1x128xf32>
      %slice3A = vector.extract_strided_slice %scan3A_17 {offsets = [0, 0], sizes = [1, 128], strides = [1, 1]} : vector<16x128xf32> to vector<1x128xf32>
      %add3A_34 = arith.addf %select_n3A_33, %slice3A : vector<1x128xf32>
      %add3A_35 = arith.addf %add3A_34, %select_n3A : vector<1x128xf32>
      %slice3A_36 = vector.extract_strided_slice %scan3A_17 {offsets = [1, 0], sizes = [1, 128], strides = [1, 1]} : vector<16x128xf32> to vector<1x128xf32>
      %add3A_37 = arith.addf %add3A_34, %slice3A_36 : vector<1x128xf32>
      %add3A_38 = arith.addf %add3A_37, %select_n3A : vector<1x128xf32>
      %slice3A_39 = vector.extract_strided_slice %scan3A_17 {offsets = [2, 0], sizes = [1, 128], strides = [1, 1]} : vector<16x128xf32> to vector<1x128xf32>
      %add3A_40 = arith.addf %add3A_37, %slice3A_39 : vector<1x128xf32>
      %add3A_41 = arith.addf %add3A_40, %select_n3A : vector<1x128xf32>
      %slice3A_42 = vector.extract_strided_slice %scan3A_17 {offsets = [3, 0], sizes = [1, 128], strides = [1, 1]} : vector<16x128xf32> to vector<1x128xf32>
      %add3A_43 = arith.addf %add3A_40, %slice3A_42 : vector<1x128xf32>
      %add3A_44 = arith.addf %add3A_43, %select_n3A : vector<1x128xf32>
      %slice3A_45 = vector.extract_strided_slice %scan3A_17 {offsets = [4, 0], sizes = [1, 128], strides = [1, 1]} : vector<16x128xf32> to vector<1x128xf32>
      %add3A_46 = arith.addf %add3A_43, %slice3A_45 : vector<1x128xf32>
      %add3A_47 = arith.addf %add3A_46, %select_n3A : vector<1x128xf32>
      %slice3A_48 = vector.extract_strided_slice %scan3A_17 {offsets = [5, 0], sizes = [1, 128], strides = [1, 1]} : vector<16x128xf32> to vector<1x128xf32>
      %add3A_49 = arith.addf %add3A_46, %slice3A_48 : vector<1x128xf32>
      %add3A_50 = arith.addf %add3A_49, %select_n3A : vector<1x128xf32>
      %slice3A_51 = vector.extract_strided_slice %scan3A_17 {offsets = [6, 0], sizes = [1, 128], strides = [1, 1]} : vector<16x128xf32> to vector<1x128xf32>
      %add3A_52 = arith.addf %add3A_49, %slice3A_51 : vector<1x128xf32>
      %add3A_53 = arith.addf %add3A_52, %select_n3A : vector<1x128xf32>
      %slice3A_54 = vector.extract_strided_slice %scan3A_17 {offsets = [7, 0], sizes = [1, 128], strides = [1, 1]} : vector<16x128xf32> to vector<1x128xf32>
      %add3A_55 = arith.addf %add3A_52, %slice3A_54 : vector<1x128xf32>
      %add3A_56 = arith.addf %add3A_55, %select_n3A : vector<1x128xf32>
      %slice3A_57 = vector.extract_strided_slice %scan3A_17 {offsets = [8, 0], sizes = [1, 128], strides = [1, 1]} : vector<16x128xf32> to vector<1x128xf32>
      %add3A_58 = arith.addf %add3A_55, %slice3A_57 : vector<1x128xf32>
      %add3A_59 = arith.addf %add3A_58, %select_n3A : vector<1x128xf32>
      %slice3A_60 = vector.extract_strided_slice %scan3A_17 {offsets = [9, 0], sizes = [1, 128], strides = [1, 1]} : vector<16x128xf32> to vector<1x128xf32>
      %add3A_61 = arith.addf %add3A_58, %slice3A_60 : vector<1x128xf32>
      %add3A_62 = arith.addf %add3A_61, %select_n3A : vector<1x128xf32>
      %slice3A_63 = vector.extract_strided_slice %scan3A_17 {offsets = [10, 0], sizes = [1, 128], strides = [1, 1]} : vector<16x128xf32> to vector<1x128xf32>
      %add3A_64 = arith.addf %add3A_61, %slice3A_63 : vector<1x128xf32>
      %add3A_65 = arith.addf %add3A_64, %select_n3A : vector<1x128xf32>
      %slice3A_66 = vector.extract_strided_slice %scan3A_17 {offsets = [11, 0], sizes = [1, 128], strides = [1, 1]} : vector<16x128xf32> to vector<1x128xf32>
      %add3A_67 = arith.addf %add3A_64, %slice3A_66 : vector<1x128xf32>
      %add3A_68 = arith.addf %add3A_67, %select_n3A : vector<1x128xf32>
      %slice3A_69 = vector.extract_strided_slice %scan3A_17 {offsets = [12, 0], sizes = [1, 128], strides = [1, 1]} : vector<16x128xf32> to vector<1x128xf32>
      %add3A_70 = arith.addf %add3A_67, %slice3A_69 : vector<1x128xf32>
      %add3A_71 = arith.addf %add3A_70, %select_n3A : vector<1x128xf32>
      %slice3A_72 = vector.extract_strided_slice %scan3A_17 {offsets = [13, 0], sizes = [1, 128], strides = [1, 1]} : vector<16x128xf32> to vector<1x128xf32>
      %add3A_73 = arith.addf %add3A_70, %slice3A_72 : vector<1x128xf32>
      %add3A_74 = arith.addf %add3A_73, %select_n3A : vector<1x128xf32>
      %slice3A_75 = vector.extract_strided_slice %scan3A_17 {offsets = [14, 0], sizes = [1, 128], strides = [1, 1]} : vector<16x128xf32> to vector<1x128xf32>
      %add3A_76 = arith.addf %add3A_73, %slice3A_75 : vector<1x128xf32>
      %add3A_77 = arith.addf %add3A_76, %select_n3A : vector<1x128xf32>
      %slice3A_78 = vector.extract_strided_slice %scan3A_17 {offsets = [15, 0], sizes = [1, 128], strides = [1, 1]} : vector<16x128xf32> to vector<1x128xf32>
      %add3A_79 = arith.addf %add3A_76, %slice3A_78 : vector<1x128xf32>
      %add3A_80 = arith.addf %add3A_79, %select_n3A : vector<1x128xf32>
      %swap3A = arith.constant 0 : index
      %swap3A_81 = arith.constant 0 : index
      %swap3A_82 = vector.load %arg7[%swap3A, %swap3A_81] : memref<1x128xf32, #tpu.memory_space<vmem>>, vector<1x128xf32>
      tpu.vector_store %arg7[%swap3A, %swap3A_81], %add3A_79 {strides = array<i32>} : memref<1x128xf32, #tpu.memory_space<vmem>>, vector<1x128xf32>,
      %swap3A_83 = arith.constant 0 : index
      %swap3A_84 = arith.constant 0 : index
      %swap3A_85 = vector.load %arg8[%swap3A_83, %swap3A_84] : memref<1x128xf32, #tpu.memory_space<vmem>>, vector<1x128xf32>
      tpu.vector_store %arg8[%swap3A_83, %swap3A_84], %select_n3A {strides = array<i32>} : memref<1x128xf32, #tpu.memory_space<vmem>>, vector<1x128xf32>,
      %swap3A_86 = arith.constant 0 : index
      %swap3A_87 = arith.constant 0 : index
      %swap3A_88 = vector.load %arg9[%swap3A_86, %swap3A_87] : memref<1x128xf32, #tpu.memory_space<vmem>>, vector<1x128xf32>
      tpu.vector_store %arg9[%swap3A_86, %swap3A_87], %add3A_80 {strides = array<i32>} : memref<1x128xf32, #tpu.memory_space<vmem>>, vector<1x128xf32>,
      %concatenate3A = tpu.concatenate %get3A_27, %add3A_35, %add3A_38, %add3A_41, %add3A_44, %add3A_47, %add3A_50, %add3A_53, %add3A_56, %add3A_59, %add3A_62, %add3A_65, %add3A_68, %add3A_71, %add3A_74, %add3A_77 in 0 : vector<1x128xf32>, vector<1x128xf32>, vector<1x128xf32>, vector<1x128xf32>, vector<1x128xf32>, vector<1x128xf32>, vector<1x128xf32>, vector<1x128xf32>, vector<1x128xf32>, vector<1x128xf32>, vector<1x128xf32>, vector<1x128xf32>, vector<1x128xf32>, vector<1x128xf32>, vector<1x128xf32>, vector<1x128xf32> -> vector<16x128xf32>
      %get3A_89 = arith.constant 0 : index
      %get3A_90 = arith.constant 0 : index
      %get3A_91 = vector.load %arg2[%get3A_89, %get3A_90] : memref<1x128xf32, #tpu.memory_space<vmem>>, vector<1x128xf32>
      %mul3A = arith.constant 2048 : i32
      %mul3A_92 = arith.muli %sub3A_10, %mul3A : i32
      %broadcast_in_dim3A_93 = arith.constant 0 : i32
      %broadcast_in_dim3A_94 = vector.broadcast %broadcast_in_dim3A_93 : i32 to vector<1x128xi32>
      %get3A_95 = arith.constant 0 : index
      %get3A_96 = arith.constant 0 : index
      %get3A_97 = arith.constant 0 : index
      %get3A_98 = vector.load %arg11[%get3A_95, %get3A_96, %get3A_97] : memref<128x16x128xf32, #tpu.memory_space<vmem>>, vector<16x16x128xf32>
      %broadcast_in_dim3A_99 = vector.shape_cast %concatenate3A : vector<16x128xf32> to vector<1x16x128xf32>
      %add3A_100 = vector.broadcast %broadcast_in_dim3A_99 : vector<1x16x128xf32> to vector<16x16x128xf32>
      %add3A_101 = arith.addf %get3A_98, %add3A_100 : vector<16x16x128xf32>
      %iota3A = tpu.iota {dimensions = array<i32: 0>} : vector<16x16x128xi32>
      %iota3A_102 = tpu.iota {dimensions = array<i32: 1>} : vector<16x16x128xi32>
      %mul3A_103 = arith.constant 128 : i32
      %mul3A_104 = vector.broadcast %mul3A_103 : i32 to vector<16x16x128xi32>
      %mul3A_105 = arith.muli %iota3A_102, %mul3A_104 : vector<16x16x128xi32>
      %add3A_106 = vector.broadcast %mul3A_92 : i32 to vector<16x16x128xi32>
      %add3A_107 = arith.addi %add3A_106, %mul3A_105 : vector<16x16x128xi32>
      %add3A_108 = arith.constant 0 : i32
      %add3A_109 = vector.broadcast %add3A_108 : i32 to vector<16x16x128xi32>
      %add3A_110 = arith.addi %add3A_109, %iota3A : vector<16x16x128xi32>
      %add3A_111 = arith.addi %add3A_107, %add3A_110 : vector<16x16x128xi32>
      %broadcast_in_dim3A_112 = vector.shape_cast %get3A_91 : vector<1x128xf32> to vector<1x1x128xf32>
      %lt3A_113 = vector.broadcast %broadcast_in_dim3A_112 : vector<1x1x128xf32> to vector<16x16x128xf32>
      %lt3A_114 = arith.cmpf olt, %add3A_101, %lt3A_113 : vector<16x16x128xf32>
      %lt3A_115 = arith.constant 100000 : i32
      %lt3A_116 = vector.broadcast %lt3A_115 : i32 to vector<16x16x128xi32>
      %lt3A_117 = arith.cmpi slt, %add3A_111, %lt3A_116 : vector<16x16x128xi32>
      %and3A = arith.andi %lt3A_114, %lt3A_117 : vector<16x16x128xi1>
      %convert_element_type3A_118 = arith.extui %and3A : vector<16x16x128xi1> to vector<16x16x128xi32>
      %reduce_sum3A = arith.constant dense<0> : vector<128xi32>
      %reduce_sum3A_119 = vector.multi_reduction <add>, %convert_element_type3A_118, %reduce_sum3A [0, 1] : vector<16x16x128xi32> to vector<128xi32>
      %reshape3A = vector.shape_cast %reduce_sum3A_119 : vector<128xi32> to vector<1x128xi32>
      %add3A_120 = arith.addi %broadcast_in_dim3A_94, %reshape3A : vector<1x128xi32>
      %get3A_121 = arith.constant 16 : index
      %get3A_122 = arith.constant 0 : index
      %get3A_123 = arith.constant 0 : index
      %get3A_124 = vector.load %arg11[%get3A_121, %get3A_122, %get3A_123] : memref<128x16x128xf32, #tpu.memory_space<vmem>>, vector<16x16x128xf32>
      %broadcast_in_dim3A_125 = vector.shape_cast %concatenate3A : vector<16x128xf32> to vector<1x16x128xf32>
      %add3A_126 = vector.broadcast %broadcast_in_dim3A_125 : vector<1x16x128xf32> to vector<16x16x128xf32>
      %add3A_127 = arith.addf %get3A_124, %add3A_126 : vector<16x16x128xf32>
      %iota3A_128 = tpu.iota {dimensions = array<i32: 0>} : vector<16x16x128xi32>
      %iota3A_129 = tpu.iota {dimensions = array<i32: 1>} : vector<16x16x128xi32>
      %mul3A_130 = arith.constant 128 : i32
      %mul3A_131 = vector.broadcast %mul3A_130 : i32 to vector<16x16x128xi32>
      %mul3A_132 = arith.muli %iota3A_129, %mul3A_131 : vector<16x16x128xi32>
      %add3A_133 = vector.broadcast %mul3A_92 : i32 to vector<16x16x128xi32>
      %add3A_134 = arith.addi %add3A_133, %mul3A_132 : vector<16x16x128xi32>
      %add3A_135 = arith.constant 16 : i32
      %add3A_136 = vector.broadcast %add3A_135 : i32 to vector<16x16x128xi32>
      %add3A_137 = arith.addi %add3A_136, %iota3A_128 : vector<16x16x128xi32>
      %add3A_138 = arith.addi %add3A_134, %add3A_137 : vector<16x16x128xi32>
      %broadcast_in_dim3A_139 = vector.shape_cast %get3A_91 : vector<1x128xf32> to vector<1x1x128xf32>
      %lt3A_140 = vector.broadcast %broadcast_in_dim3A_139 : vector<1x1x128xf32> to vector<16x16x128xf32>
      %lt3A_141 = arith.cmpf olt, %add3A_127, %lt3A_140 : vector<16x16x128xf32>
      %lt3A_142 = arith.constant 100000 : i32
      %lt3A_143 = vector.broadcast %lt3A_142 : i32 to vector<16x16x128xi32>
      %lt3A_144 = arith.cmpi slt, %add3A_138, %lt3A_143 : vector<16x16x128xi32>
      %and3A_145 = arith.andi %lt3A_141, %lt3A_144 : vector<16x16x128xi1>
      %convert_element_type3A_146 = arith.extui %and3A_145 : vector<16x16x128xi1> to vector<16x16x128xi32>
      %reduce_sum3A_147 = arith.constant dense<0> : vector<128xi32>
      %reduce_sum3A_148 = vector.multi_reduction <add>, %convert_element_type3A_146, %reduce_sum3A_147 [0, 1] : vector<16x16x128xi32> to vector<128xi32>
      %reshape3A_149 = vector.shape_cast %reduce_sum3A_148 : vector<128xi32> to vector<1x128xi32>
      %add3A_150 = arith.addi %add3A_120, %reshape3A_149 : vector<1x128xi32>
      %get3A_151 = arith.constant 32 : index
      %get3A_152 = arith.constant 0 : index
      %get3A_153 = arith.constant 0 : index
      %get3A_154 = vector.load %arg11[%get3A_151, %get3A_152, %get3A_153] : memref<128x16x128xf32, #tpu.memory_space<vmem>>, vector<16x16x128xf32>
      %broadcast_in_dim3A_155 = vector.shape_cast %concatenate3A : vector<16x128xf32> to vector<1x16x128xf32>
      %add3A_156 = vector.broadcast %broadcast_in_dim3A_155 : vector<1x16x128xf32> to vector<16x16x128xf32>
      %add3A_157 = arith.addf %get3A_154, %add3A_156 : vector<16x16x128xf32>
      %iota3A_158 = tpu.iota {dimensions = array<i32: 0>} : vector<16x16x128xi32>
      %iota3A_159 = tpu.iota {dimensions = array<i32: 1>} : vector<16x16x128xi32>
      %mul3A_160 = arith.constant 128 : i32
      %mul3A_161 = vector.broadcast %mul3A_160 : i32 to vector<16x16x128xi32>
      %mul3A_162 = arith.muli %iota3A_159, %mul3A_161 : vector<16x16x128xi32>
      %add3A_163 = vector.broadcast %mul3A_92 : i32 to vector<16x16x128xi32>
      %add3A_164 = arith.addi %add3A_163, %mul3A_162 : vector<16x16x128xi32>
      %add3A_165 = arith.constant 32 : i32
      %add3A_166 = vector.broadcast %add3A_165 : i32 to vector<16x16x128xi32>
      %add3A_167 = arith.addi %add3A_166, %iota3A_158 : vector<16x16x128xi32>
      %add3A_168 = arith.addi %add3A_164, %add3A_167 : vector<16x16x128xi32>
      %broadcast_in_dim3A_169 = vector.shape_cast %get3A_91 : vector<1x128xf32> to vector<1x1x128xf32>
      %lt3A_170 = vector.broadcast %broadcast_in_dim3A_169 : vector<1x1x128xf32> to vector<16x16x128xf32>
      %lt3A_171 = arith.cmpf olt, %add3A_157, %lt3A_170 : vector<16x16x128xf32>
      %lt3A_172 = arith.constant 100000 : i32
      %lt3A_173 = vector.broadcast %lt3A_172 : i32 to vector<16x16x128xi32>
      %lt3A_174 = arith.cmpi slt, %add3A_168, %lt3A_173 : vector<16x16x128xi32>
      %and3A_175 = arith.andi %lt3A_171, %lt3A_174 : vector<16x16x128xi1>
      %convert_element_type3A_176 = arith.extui %and3A_175 : vector<16x16x128xi1> to vector<16x16x128xi32>
      %reduce_sum3A_177 = arith.constant dense<0> : vector<128xi32>
      %reduce_sum3A_178 = vector.multi_reduction <add>, %convert_element_type3A_176, %reduce_sum3A_177 [0, 1] : vector<16x16x128xi32> to vector<128xi32>
      %reshape3A_179 = vector.shape_cast %reduce_sum3A_178 : vector<128xi32> to vector<1x128xi32>
      %add3A_180 = arith.addi %add3A_150, %reshape3A_179 : vector<1x128xi32>
      %get3A_181 = arith.constant 48 : index
      %get3A_182 = arith.constant 0 : index
      %get3A_183 = arith.constant 0 : index
      %get3A_184 = vector.load %arg11[%get3A_181, %get3A_182, %get3A_183] : memref<128x16x128xf32, #tpu.memory_space<vmem>>, vector<16x16x128xf32>
      %broadcast_in_dim3A_185 = vector.shape_cast %concatenate3A : vector<16x128xf32> to vector<1x16x128xf32>
      %add3A_186 = vector.broadcast %broadcast_in_dim3A_185 : vector<1x16x128xf32> to vector<16x16x128xf32>
      %add3A_187 = arith.addf %get3A_184, %add3A_186 : vector<16x16x128xf32>
      %iota3A_188 = tpu.iota {dimensions = array<i32: 0>} : vector<16x16x128xi32>
      %iota3A_189 = tpu.iota {dimensions = array<i32: 1>} : vector<16x16x128xi32>
      %mul3A_190 = arith.constant 128 : i32
      %mul3A_191 = vector.broadcast %mul3A_190 : i32 to vector<16x16x128xi32>
      %mul3A_192 = arith.muli %iota3A_189, %mul3A_191 : vector<16x16x128xi32>
      %add3A_193 = vector.broadcast %mul3A_92 : i32 to vector<16x16x128xi32>
      %add3A_194 = arith.addi %add3A_193, %mul3A_192 : vector<16x16x128xi32>
      %add3A_195 = arith.constant 48 : i32
      %add3A_196 = vector.broadcast %add3A_195 : i32 to vector<16x16x128xi32>
      %add3A_197 = arith.addi %add3A_196, %iota3A_188 : vector<16x16x128xi32>
      %add3A_198 = arith.addi %add3A_194, %add3A_197 : vector<16x16x128xi32>
      %broadcast_in_dim3A_199 = vector.shape_cast %get3A_91 : vector<1x128xf32> to vector<1x1x128xf32>
      %lt3A_200 = vector.broadcast %broadcast_in_dim3A_199 : vector<1x1x128xf32> to vector<16x16x128xf32>
      %lt3A_201 = arith.cmpf olt, %add3A_187, %lt3A_200 : vector<16x16x128xf32>
      %lt3A_202 = arith.constant 100000 : i32
      %lt3A_203 = vector.broadcast %lt3A_202 : i32 to vector<16x16x128xi32>
      %lt3A_204 = arith.cmpi slt, %add3A_198, %lt3A_203 : vector<16x16x128xi32>
      %and3A_205 = arith.andi %lt3A_201, %lt3A_204 : vector<16x16x128xi1>
      %convert_element_type3A_206 = arith.extui %and3A_205 : vector<16x16x128xi1> to vector<16x16x128xi32>
      %reduce_sum3A_207 = arith.constant dense<0> : vector<128xi32>
      %reduce_sum3A_208 = vector.multi_reduction <add>, %convert_element_type3A_206, %reduce_sum3A_207 [0, 1] : vector<16x16x128xi32> to vector<128xi32>
      %reshape3A_209 = vector.shape_cast %reduce_sum3A_208 : vector<128xi32> to vector<1x128xi32>
      %add3A_210 = arith.addi %add3A_180, %reshape3A_209 : vector<1x128xi32>
      %get3A_211 = arith.constant 64 : index
      %get3A_212 = arith.constant 0 : index
      %get3A_213 = arith.constant 0 : index
      %get3A_214 = vector.load %arg11[%get3A_211, %get3A_212, %get3A_213] : memref<128x16x128xf32, #tpu.memory_space<vmem>>, vector<16x16x128xf32>
      %broadcast_in_dim3A_215 = vector.shape_cast %concatenate3A : vector<16x128xf32> to vector<1x16x128xf32>
      %add3A_216 = vector.broadcast %broadcast_in_dim3A_215 : vector<1x16x128xf32> to vector<16x16x128xf32>
      %add3A_217 = arith.addf %get3A_214, %add3A_216 : vector<16x16x128xf32>
      %iota3A_218 = tpu.iota {dimensions = array<i32: 0>} : vector<16x16x128xi32>
      %iota3A_219 = tpu.iota {dimensions = array<i32: 1>} : vector<16x16x128xi32>
      %mul3A_220 = arith.constant 128 : i32
      %mul3A_221 = vector.broadcast %mul3A_220 : i32 to vector<16x16x128xi32>
      %mul3A_222 = arith.muli %iota3A_219, %mul3A_221 : vector<16x16x128xi32>
      %add3A_223 = vector.broadcast %mul3A_92 : i32 to vector<16x16x128xi32>
      %add3A_224 = arith.addi %add3A_223, %mul3A_222 : vector<16x16x128xi32>
      %add3A_225 = arith.constant 64 : i32
      %add3A_226 = vector.broadcast %add3A_225 : i32 to vector<16x16x128xi32>
      %add3A_227 = arith.addi %add3A_226, %iota3A_218 : vector<16x16x128xi32>
      %add3A_228 = arith.addi %add3A_224, %add3A_227 : vector<16x16x128xi32>
      %broadcast_in_dim3A_229 = vector.shape_cast %get3A_91 : vector<1x128xf32> to vector<1x1x128xf32>
      %lt3A_230 = vector.broadcast %broadcast_in_dim3A_229 : vector<1x1x128xf32> to vector<16x16x128xf32>
      %lt3A_231 = arith.cmpf olt, %add3A_217, %lt3A_230 : vector<16x16x128xf32>
      %lt3A_232 = arith.constant 100000 : i32
      %lt3A_233 = vector.broadcast %lt3A_232 : i32 to vector<16x16x128xi32>
      %lt3A_234 = arith.cmpi slt, %add3A_228, %lt3A_233 : vector<16x16x128xi32>
      %and3A_235 = arith.andi %lt3A_231, %lt3A_234 : vector<16x16x128xi1>
      %convert_element_type3A_236 = arith.extui %and3A_235 : vector<16x16x128xi1> to vector<16x16x128xi32>
      %reduce_sum3A_237 = arith.constant dense<0> : vector<128xi32>
      %reduce_sum3A_238 = vector.multi_reduction <add>, %convert_element_type3A_236, %reduce_sum3A_237 [0, 1] : vector<16x16x128xi32> to vector<128xi32>
      %reshape3A_239 = vector.shape_cast %reduce_sum3A_238 : vector<128xi32> to vector<1x128xi32>
      %add3A_240 = arith.addi %add3A_210, %reshape3A_239 : vector<1x128xi32>
      %get3A_241 = arith.constant 80 : index
      %get3A_242 = arith.constant 0 : index
      %get3A_243 = arith.constant 0 : index
      %get3A_244 = vector.load %arg11[%get3A_241, %get3A_242, %get3A_243] : memref<128x16x128xf32, #tpu.memory_space<vmem>>, vector<16x16x128xf32>
      %broadcast_in_dim3A_245 = vector.shape_cast %concatenate3A : vector<16x128xf32> to vector<1x16x128xf32>
      %add3A_246 = vector.broadcast %broadcast_in_dim3A_245 : vector<1x16x128xf32> to vector<16x16x128xf32>
      %add3A_247 = arith.addf %get3A_244, %add3A_246 : vector<16x16x128xf32>
      %iota3A_248 = tpu.iota {dimensions = array<i32: 0>} : vector<16x16x128xi32>
      %iota3A_249 = tpu.iota {dimensions = array<i32: 1>} : vector<16x16x128xi32>
      %mul3A_250 = arith.constant 128 : i32
      %mul3A_251 = vector.broadcast %mul3A_250 : i32 to vector<16x16x128xi32>
      %mul3A_252 = arith.muli %iota3A_249, %mul3A_251 : vector<16x16x128xi32>
      %add3A_253 = vector.broadcast %mul3A_92 : i32 to vector<16x16x128xi32>
      %add3A_254 = arith.addi %add3A_253, %mul3A_252 : vector<16x16x128xi32>
      %add3A_255 = arith.constant 80 : i32
      %add3A_256 = vector.broadcast %add3A_255 : i32 to vector<16x16x128xi32>
      %add3A_257 = arith.addi %add3A_256, %iota3A_248 : vector<16x16x128xi32>
      %add3A_258 = arith.addi %add3A_254, %add3A_257 : vector<16x16x128xi32>
      %broadcast_in_dim3A_259 = vector.shape_cast %get3A_91 : vector<1x128xf32> to vector<1x1x128xf32>
      %lt3A_260 = vector.broadcast %broadcast_in_dim3A_259 : vector<1x1x128xf32> to vector<16x16x128xf32>
      %lt3A_261 = arith.cmpf olt, %add3A_247, %lt3A_260 : vector<16x16x128xf32>
      %lt3A_262 = arith.constant 100000 : i32
      %lt3A_263 = vector.broadcast %lt3A_262 : i32 to vector<16x16x128xi32>
      %lt3A_264 = arith.cmpi slt, %add3A_258, %lt3A_263 : vector<16x16x128xi32>
      %and3A_265 = arith.andi %lt3A_261, %lt3A_264 : vector<16x16x128xi1>
      %convert_element_type3A_266 = arith.extui %and3A_265 : vector<16x16x128xi1> to vector<16x16x128xi32>
      %reduce_sum3A_267 = arith.constant dense<0> : vector<128xi32>
      %reduce_sum3A_268 = vector.multi_reduction <add>, %convert_element_type3A_266, %reduce_sum3A_267 [0, 1] : vector<16x16x128xi32> to vector<128xi32>
      %reshape3A_269 = vector.shape_cast %reduce_sum3A_268 : vector<128xi32> to vector<1x128xi32>
      %add3A_270 = arith.addi %add3A_240, %reshape3A_269 : vector<1x128xi32>
      %get3A_271 = arith.constant 96 : index
      %get3A_272 = arith.constant 0 : index
      %get3A_273 = arith.constant 0 : index
      %get3A_274 = vector.load %arg11[%get3A_271, %get3A_272, %get3A_273] : memref<128x16x128xf32, #tpu.memory_space<vmem>>, vector<16x16x128xf32>
      %broadcast_in_dim3A_275 = vector.shape_cast %concatenate3A : vector<16x128xf32> to vector<1x16x128xf32>
      %add3A_276 = vector.broadcast %broadcast_in_dim3A_275 : vector<1x16x128xf32> to vector<16x16x128xf32>
      %add3A_277 = arith.addf %get3A_274, %add3A_276 : vector<16x16x128xf32>
      %iota3A_278 = tpu.iota {dimensions = array<i32: 0>} : vector<16x16x128xi32>
      %iota3A_279 = tpu.iota {dimensions = array<i32: 1>} : vector<16x16x128xi32>
      %mul3A_280 = arith.constant 128 : i32
      %mul3A_281 = vector.broadcast %mul3A_280 : i32 to vector<16x16x128xi32>
      %mul3A_282 = arith.muli %iota3A_279, %mul3A_281 : vector<16x16x128xi32>
      %add3A_283 = vector.broadcast %mul3A_92 : i32 to vector<16x16x128xi32>
      %add3A_284 = arith.addi %add3A_283, %mul3A_282 : vector<16x16x128xi32>
      %add3A_285 = arith.constant 96 : i32
      %add3A_286 = vector.broadcast %add3A_285 : i32 to vector<16x16x128xi32>
      %add3A_287 = arith.addi %add3A_286, %iota3A_278 : vector<16x16x128xi32>
      %add3A_288 = arith.addi %add3A_284, %add3A_287 : vector<16x16x128xi32>
      %broadcast_in_dim3A_289 = vector.shape_cast %get3A_91 : vector<1x128xf32> to vector<1x1x128xf32>
      %lt3A_290 = vector.broadcast %broadcast_in_dim3A_289 : vector<1x1x128xf32> to vector<16x16x128xf32>
      %lt3A_291 = arith.cmpf olt, %add3A_277, %lt3A_290 : vector<16x16x128xf32>
      %lt3A_292 = arith.constant 100000 : i32
      %lt3A_293 = vector.broadcast %lt3A_292 : i32 to vector<16x16x128xi32>
      %lt3A_294 = arith.cmpi slt, %add3A_288, %lt3A_293 : vector<16x16x128xi32>
      %and3A_295 = arith.andi %lt3A_291, %lt3A_294 : vector<16x16x128xi1>
      %convert_element_type3A_296 = arith.extui %and3A_295 : vector<16x16x128xi1> to vector<16x16x128xi32>
      %reduce_sum3A_297 = arith.constant dense<0> : vector<128xi32>
      %reduce_sum3A_298 = vector.multi_reduction <add>, %convert_element_type3A_296, %reduce_sum3A_297 [0, 1] : vector<16x16x128xi32> to vector<128xi32>
      %reshape3A_299 = vector.shape_cast %reduce_sum3A_298 : vector<128xi32> to vector<1x128xi32>
      %add3A_300 = arith.addi %add3A_270, %reshape3A_299 : vector<1x128xi32>
      %get3A_301 = arith.constant 112 : index
      %get3A_302 = arith.constant 0 : index
      %get3A_303 = arith.constant 0 : index
      %get3A_304 = vector.load %arg11[%get3A_301, %get3A_302, %get3A_303] : memref<128x16x128xf32, #tpu.memory_space<vmem>>, vector<16x16x128xf32>
      %broadcast_in_dim3A_305 = vector.shape_cast %concatenate3A : vector<16x128xf32> to vector<1x16x128xf32>
      %add3A_306 = vector.broadcast %broadcast_in_dim3A_305 : vector<1x16x128xf32> to vector<16x16x128xf32>
      %add3A_307 = arith.addf %get3A_304, %add3A_306 : vector<16x16x128xf32>
      %iota3A_308 = tpu.iota {dimensions = array<i32: 0>} : vector<16x16x128xi32>
      %iota3A_309 = tpu.iota {dimensions = array<i32: 1>} : vector<16x16x128xi32>
      %mul3A_310 = arith.constant 128 : i32
      %mul3A_311 = vector.broadcast %mul3A_310 : i32 to vector<16x16x128xi32>
      %mul3A_312 = arith.muli %iota3A_309, %mul3A_311 : vector<16x16x128xi32>
      %add3A_313 = vector.broadcast %mul3A_92 : i32 to vector<16x16x128xi32>
      %add3A_314 = arith.addi %add3A_313, %mul3A_312 : vector<16x16x128xi32>
      %add3A_315 = arith.constant 112 : i32
      %add3A_316 = vector.broadcast %add3A_315 : i32 to vector<16x16x128xi32>
      %add3A_317 = arith.addi %add3A_316, %iota3A_308 : vector<16x16x128xi32>
      %add3A_318 = arith.addi %add3A_314, %add3A_317 : vector<16x16x128xi32>
      %broadcast_in_dim3A_319 = vector.shape_cast %get3A_91 : vector<1x128xf32> to vector<1x1x128xf32>
      %lt3A_320 = vector.broadcast %broadcast_in_dim3A_319 : vector<1x1x128xf32> to vector<16x16x128xf32>
      %lt3A_321 = arith.cmpf olt, %add3A_307, %lt3A_320 : vector<16x16x128xf32>
      %lt3A_322 = arith.constant 100000 : i32
      %lt3A_323 = vector.broadcast %lt3A_322 : i32 to vector<16x16x128xi32>
      %lt3A_324 = arith.cmpi slt, %add3A_318, %lt3A_323 : vector<16x16x128xi32>
      %and3A_325 = arith.andi %lt3A_321, %lt3A_324 : vector<16x16x128xi1>
      %convert_element_type3A_326 = arith.extui %and3A_325 : vector<16x16x128xi1> to vector<16x16x128xi32>
      %reduce_sum3A_327 = arith.constant dense<0> : vector<128xi32>
      %reduce_sum3A_328 = vector.multi_reduction <add>, %convert_element_type3A_326, %reduce_sum3A_327 [0, 1] : vector<16x16x128xi32> to vector<128xi32>
      %reshape3A_329 = vector.shape_cast %reduce_sum3A_328 : vector<128xi32> to vector<1x128xi32>
      %add3A_330 = arith.addi %add3A_300, %reshape3A_329 : vector<1x128xi32>
      %get3A_331 = arith.constant 0 : index
      %get3A_332 = arith.constant 0 : index
      %get3A_333 = vector.load %arg10[%get3A_331, %get3A_332] : memref<1x128xi32, #tpu.memory_space<vmem>>, vector<1x128xi32>
      %add3A_334 = arith.addi %get3A_333, %add3A_330 : vector<1x128xi32>
      %swap3A_335 = arith.constant 0 : index
      %swap3A_336 = arith.constant 0 : index
      %swap3A_337 = vector.load %arg10[%swap3A_335, %swap3A_336] : memref<1x128xi32, #tpu.memory_space<vmem>>, vector<1x128xi32>
      tpu.vector_store %arg10[%swap3A_335, %swap3A_336], %add3A_334 {strides = array<i32>} : memref<1x128xi32, #tpu.memory_space<vmem>>, vector<1x128xi32>,
      %eq3A_338 = arith.constant 97 : i32
      %eq3A_339 = arith.cmpi eq, %arg0, %eq3A_338 : i32
      %convert_element_type3A_340 = arith.extui %eq3A_339 : i1 to i32
      %cond3A_341 = arith.constant 0 : i32
      %cond3A_342 = arith.cmpi ne, %convert_element_type3A_340, %cond3A_341 : i32
      scf.if %cond3A_342 {
        %get3A_343 = arith.constant 0 : index
        %get3A_344 = arith.constant 0 : index
        %get3A_345 = vector.load %arg10[%get3A_343, %get3A_344] : memref<1x128xi32, #tpu.memory_space<vmem>>, vector<1x128xi32>
        %jit3A = arith.constant 0 : i32
        %jit3A_346 = arith.constant 99999 : i32
        %max3A = vector.broadcast %jit3A : i32 to vector<1x128xi32>
        %max3A_347 = arith.maxsi %max3A, %get3A_345 : vector<1x128xi32>
        %min3A = vector.broadcast %jit3A_346 : i32 to vector<1x128xi32>
        %min3A_348 = arith.minsi %min3A, %max3A_347 : vector<1x128xi32>
        %swap3A_349 = arith.constant 0 : index
        %swap3A_350 = arith.constant 0 : index
        %swap3A_351 = vector.load %arg3[%swap3A_349, %swap3A_350] : memref<1x128xi32, #tpu.memory_space<vmem>>, vector<1x128xi32>
        tpu.vector_store %arg3[%swap3A_349, %swap3A_350], %min3A_348 {strides = array<i32>} : memref<1x128xi32, #tpu.memory_space<vmem>>, vector<1x128xi32>,
      } else {
      }
    } else {
    }
    return
  }
  func.func @transform_0(%arg0: i32) -> (i32, i32, i32) {
    %jit3A = arith.constant 49 : i32
    %eq3A = arith.constant 0 : i32
    %eq3A_0 = arith.cmpi eq, %jit3A, %eq3A : i32
    %jit3A_1 = arith.constant 1 : i32
    %select_n3A = arith.select %eq3A_0, %jit3A_1, %jit3A : i32
    %rem3A = arith.remsi %arg0, %select_n3A : i32
    %ne3A = arith.constant 0 : i32
    %ne3A_2 = arith.cmpi ne, %rem3A, %ne3A : i32
    %lt3A = arith.constant 0 : i32
    %lt3A_3 = arith.cmpi slt, %rem3A, %lt3A : i32
    %lt3A_4 = arith.constant 0 : i32
    %lt3A_5 = arith.cmpi slt, %select_n3A, %lt3A_4 : i32
    %ne3A_6 = arith.xori %lt3A_3, %lt3A_5 : i1
    %and3A = arith.andi %ne3A_6, %ne3A_2 : i1
    %add3A = arith.addi %rem3A, %select_n3A : i32
    %select_n3A_7 = arith.select %and3A, %add3A, %rem3A : i32
    %c0_i32 = arith.constant 0 : i32
    %c0_i32_8 = arith.constant 0 : i32
    %c0_i32_9 = arith.constant 0 : i32
    return %c0_i32, %select_n3A_7, %c0_i32_8 : i32, i32, i32
  }
  func.func @transform_1(%arg0: i32) -> (i32, i32) {
    %c0_i32 = arith.constant 0 : i32
    %c0_i32_0 = arith.constant 0 : i32
    %c0_i32_1 = arith.constant 0 : i32
    return %c0_i32, %c0_i32_0 : i32, i32
  }
  func.func @transform_2(%arg0: i32) -> (i32, i32) {
    %c0_i32 = arith.constant 0 : i32
    %c0_i32_0 = arith.constant 0 : i32
    %c0_i32_1 = arith.constant 0 : i32
    return %c0_i32, %c0_i32_0 : i32, i32
  }
}

</mosaic_0001>

<sc_bundles>
// kernel: sparse-core-data-format-call.cloned.1.call-start
scs
called_computation_lowered:
.L_overlay_start_0:
0x0: {  	s1 =	sld [smem:$0x3FD9]  }
0x1: {  	s2 =	sld [smem:$0x3FFE];
	_ =	sdelay $0x1  }
0x2: {  	s3 =	srdreg.scid  }
0x3: {  	s0 =	sand.u32 $0x1, s3  }
0x4: {  	s17 =	sshll.u32 s0, $0xA;
	s1 =	sadd.s32 s2, s1  }
0x5: {  	s1 =	sadd.s32 s1, s17  }
0x6: {  	[smem:$0x3FC7] =	sst s1  }
0x7: {  	_ = 	snop  }
0x8: {  	(tm) =	ssettm $0x1  }
0x9: {  	s18 =	sld [smem:$0x3FFB];
	_ =	sdelay $0x3  }
0xa: {  	_ =	strace s18  }
0xb: {  	s1 =	sld [smem:$0x3FFC];
	_ =	sdelay $0x3  }
0xc: {  	_ =	strace s1  }
0xd: {  	s1 =	sld [smem:$0x3FFD];
	_ =	sdelay $0x3  }
0xe: {  	_ =	strace s1  }
0xf: {  	_ =	strace $0x8FFFFFFF  }
0x10: {  	s19 =	sld [smem:$0x3FDB];
	_ =	sdelay $0x1  }
0x11: {  	s20 =	simm.s32 $_scs_section_size  }
0x12: {  	s4 =	simm.s32 $_size__tile_overlayer_lowered;
	s5 =	simm.s32 $_tile_overlayer_lowered  }
0x13: {  	s23 =	simm.s32 $0x1BFF;
	s22 =	sshll.u32 s5, $0x1;
	s1 =	sadd.s32 s20, s19  }
0x14: {  	s6 =	simm.s32 $0x0;
	s21 =	sshll.u32 s4, $0x1;
	s4 =	sadd.s32 s22, s1  }
0x15: {  	[timem:s6], [sflag:s23] =	dma.local [hbm:s4], s21  }
0x16: {  	_ =	swait.ge [sflag:s23], s21  }
0x17: {  	s2 =	ssub.s32 $0x0, s21;
	[sflag:s23] =	ssyncset.done $0x0  }
0x18: {  	[sflag:s23] =	ssyncadd.s32 s2;
	_ =	sdelay $0x1  }
0x19: {  	s24 =	simm.s32 $0x1B8B  }
0x1a: {  	_ =	swait.ge [sflag:s24], $0x1  }
0x1b: {  	[sflag:s24] =	ssyncset.done $0x0  }
0x1c: {  	s26 =	simm.s32 $0x1B8E;
	s25 =	sld [smem:$0x3FFE];
	[sflag:s24] =	ssyncadd.s32 $0xFFFFFFFF  }
0x1d: {  	s27 =	simm.s32 $execute0_lowered;
	[smem:$0x3FD2] =	sst s26  }
0x1e: {  	s4 =	sshll.u32 s27, $0x1;
	_ =	strace $0x80000046;
	[dreg:$0x1] =	wrdreg $0xFFFFFFFF  }
0x1f: {  	s28 =	simm.s32 $_size_execute0_lowered;
	s1 =	sadd.s32 s1, s4;
	[dreg:$0x0] =	wrdreg $0x0  }
0x20: {  	s4 =	sshll.u32 s28, $0x1;
	[dreg:$0x2] =	wrdreg s1  }
0x21: {  	[dreg:$0x3] =	wrdreg s4  }
0x22: {  	[dreg:$0x4] =	wrdreg $0xC0  }
0x23: {  	_ =	task [dreg:s6], $0x5FFFF  }
0x24: {  	[dreg:$0x1] =	wrdreg $0xFFFFFFFF  }
0x25: {  	[dreg:$0x0] =	wrdreg $0x60  }
0x26: {  	[dreg:$0x2] =	wrdreg s25  }
0x27: {  	[dreg:$0x3] =	wrdreg $0x9  }
0x28: {  	_ =	task.clear_ibuf [dreg:s6], $0x4FFFF;
	_ =	strace $0x90000046  }
0x29: {  	s29 =	simm.s32 $0x9;
	_ =	strace $0x80000048  }
0x2a: {  	_ =	swait.ge [sflag:s29], $0x1  }
0x2b: {  	[sflag:s29] =	ssyncadd.s32 $0xFFFFFFFF  }
0x2c: {  	_ =	strace $0x90000048  }
0x2d: {  	_ =	sfence  }
0x2e: {  	s30 =	sld [smem:$0x0];
	_ =	sdelay $0x2  }
0x2f: {  	s31 =	sshll.u32 s3, $0xD;
	s3 =	sshrl.u32 s3, $0x2  }
0x30: {  	s2 =	sand.u32 $0x4000, s31;
	s1 =	sadd.s32 s3, s30  }
0x31: {  	s0 =	sor.u32 s2, s0;
	s1 =	sshll.u32 s1, $0x11  }
0x32: {  	s0 =	sor.u32 s1, s0  }
0x33: {  	s0 =	sadd.s32 $0x8F2B, s0  }
0x34: {  	[sflag:s0] =	ssyncadd.remote.s32 $0x1  }
0x35: {  	_ =	sfence.sel $0xFFFF  }
0x36: {  	[dreg:$0x0] =	wrdreg $0xFFFFFFFF;
	(pc) =	sbr.abs _section_cstart, $3  }
0x37: {  	[dreg:$0x1] =	wrdreg $0xFFFFFFFF  }
0x38: {  	_ =	task.clear_ibuf [dreg:s6], $0x2FFFF;
	_ =	strace $0x9FFFFFFF  }
0x39: {  	(tm) =	ssettm $0x7FFFFFFF  }
tec
execute0_lowered:
.L_overlay_start_1:
0x0: {  	(tag) =	ssettag $0x1  }
0x1: {  	s5 =	rddreg [dreg:$0x0]  }
0x2: {  	s1 =	srdreg.scid;
	s0 =	rddreg [dreg:$0x1]  }
0x3: {  	_ =	strace $0x80000047;
	s4 =	simm.s32 $0x1;
	s6 =	simm.s32 $0x2  }
0x4: {  	s13 =	simm.s32 $0x0;
	s8 =	simm.s32 $0x80;
	s2 =	sshll.u32 s1, $0x4  }
.Ltmp0:
0x5: {  	s1 =	stileid.u32;
	s3 =	sand.u32 $0x10, s2;
	(pc) =	sbr.rel .LBB1_1-.Ltmp0, $4  }
0x6: {  	s9 =	simm.s32 $0x18800;
	s10 =	simm.s32 $0x0;
	s3 =	sor.u32 s1, s3  }
0x7: {  	s12 =	simm.s32 $0x0;
	[sflag:s4] =	ssyncpa.u1 $0x0;
	s7 =	ssub.s32 $0x32F, s3  }
0x8: {  	s2 =	sadd.s32 $0x400, s5;
	[sflag:s6] =	ssyncpa.u1 $0x0;
	s6 =	sshrl.u32 s7, $0x5  }
0x9: {  	s5 =	sadd.s32 $0x188400, s5;
	s11 =	smov.u32 s3;
	s7 =	sadd.s32 $0x1, s6  }
.LBB1_4:
0xa: {  	_ =	sdelay $0x3  }
0xb: {  	[tilespmem:v0+s15+$0xFFFFFFA0 ss:$0x1] =	vst.idx.msk $0xffff, v6  }
0xc: {  	v56 =	vld.idx.msk [tilespmem:v1+s16+$0x30 ss:$0x1], $0xffff;
	[tilespmem:v0+s15+$0xFFFFFFB0 ss:$0x1] =	vst.idx.msk $0xffff, v4  }
0xd: {  	v57 =	vld.idx.msk [tilespmem:v1+s16+$0xFFFFFFC0 ss:$0x1], $0xffff;
	[tilespmem:v0+s15+$0xFFFFFFC0 ss:$0x1] =	vst.idx.msk $0xffff, v2  }
0xe: {  	v58 =	vld.idx.msk [tilespmem:v1+s16+$0xFFFFFFD0 ss:$0x1], $0xffff;
	[tilespmem:v0+s15+$0xFFFFFFD0 ss:$0x1] =	vst.idx.msk $0xffff, v3  }
0xf: {  	v59 =	vld.idx.msk [tilespmem:v1+s16+$0xFFFFFFE0 ss:$0x1], $0xffff;
	[tilespmem:v0+s15+$0xFFFFFFE0 ss:$0x1] =	vst.idx.msk $0xffff, v5  }
0x10: {  	v60 =	vld.idx.msk [tilespmem:v1+s16+$0xFFFFFFF0 ss:$0x1], $0xffff;
	[tilespmem:v0+s15+$0xFFFFFFF0 ss:$0x1] =	vst.idx.msk $0xffff, v7;
	s13 =	sand.u32 $0x1FFFFFF, s13  }
0x11: {  	v61 =	vld.idx.msk [tilespmem:v1+s16+$0x0 ss:$0x1], $0xffff;
	s31 =	smulhi.u32 $0x14E5E0B, s13;
	[tilespmem:v0+s16+$0x0 ss:$0x1] =	vst.idx.msk $0xffff, v56  }
0x12: {  	v62 =	vld.idx.msk [tilespmem:v1+s16+$0x10 ss:$0x1], $0xffff;
	[tilespmem:v0+s16+$0xFFFFFF90 ss:$0x1] =	vst.idx.msk $0xffff, v57  }
0x13: {  	v63 =	vld.idx.msk [tilespmem:v1+s16+$0x20 ss:$0x1], $0xffff;
	s15 =	sshrl.u32 s31, $0x2;
	[tilespmem:v0+s16+$0xFFFFFFA0 ss:$0x1] =	vst.idx.msk $0xffff, v58  }
0x14: {  	s15 =	smul.u32 $0x310, s15;
	[tilespmem:v0+s16+$0xFFFFFFB0 ss:$0x1] =	vst.idx.msk $0xffff, v59  }
0x15: {  	[tilespmem:v0+s16+$0xFFFFFFC0 ss:$0x1] =	vst.idx.msk $0xffff, v60  }
0x16: {  	[tilespmem:v0+s16+$0xFFFFFFD0 ss:$0x1] =	vst.idx.msk $0xffff, v61;
	s13 =	ssub.s32 s13, s15  }
0x17: {  	[tilespmem:v0+s16+$0xFFFFFFE0 ss:$0x1] =	vst.idx.msk $0xffff, v62;
	s13 =	sshll.u32 s13, $0x4  }
0x18: {  	[tilespmem:v0+s16+$0xFFFFFFF0 ss:$0x1] =	vst.idx.msk $0xffff, v63;
	s13 =	sadd.s32 s5, s13  }
0x19: {  	[hbm4b:s13+s8] =	stream.strided.scatter [tilespmem:s14], [sflag:$0x2], $0x4000, s9, s8, $0x38;
	[tilespmem:$0x10000] =	vst v63  }
.LBB1_5:
0x1a: {  	s15 =	sadd.s32 $0x20, s11  }
0x1b: {  	p1 =	sgt.s32 s15, $0x30F  }
0x1c: {  	s15 =	smov.u32 @p1 s3;
	p1 =	sne.s32 s12, s7  }
.Ltmp1:
0x1d: {  	p0 =	slt.u32 s12, $0x2;
	(pc) =	sbr.rel @!p1 .LBB1_6-.Ltmp1, $4  }
0x1e: {  	s14 =	simm.s32 @!p0 $0x2  }
0x1f: {  	s16 =	sadd.s32 $0x1, s12;
	_ =	swait.ge @!p0 [sflag:s14], $0x4000  }
0x20: {  	s13 =	smov.u32 s11;
	s10 =	sadd.s32 $0x4000, s10;
	[sflag:s14] =	ssyncset.done @!p0 $0x0  }
0x21: {  	s12 =	smov.u32 s16;
	s11 =	smov.u32 s15;
	[sflag:s14] =	ssyncadd.s32 @!p0 $0xFFFFC000  }
.LBB1_1:
0x22: {  	p0 =	sge.u32 s12, s6  }
0x23: {  	s14 =	sxor.u32 @!p0 $0xFFFFFFFF, s12  }
0x24: {  	s31 =	sadd.s32 $0xFFFFFFFF, s12;
	s15 =	sshll.u32 @!p0 s11, $0xB;
	s14 =	sshll.u32 @!p0 s14, $0xE  }
0x25: {  	s16 =	simm.s32 @!p0 $0x0;
	s15 =	sadd.s32 @!p0 s2, s15;
	s14 =	sand.u32 @!p0 $0x4000, s14  }
0x26: {  	[tilespmem:s14], [sflag:$0x1] =	stream.linear.gather @!p0 [hbm4b:s15+s16], $0x4000, $0x38;
	[tilespmem:$0x10000] =	vst v63  }
0x27: {  	p0 =	sge.u32 s31, s6  }
.Ltmp2:
0x28: {  	_ = 	snop;
	(pc) =	sbr.rel @p0 .LBB1_5-.Ltmp2, $1  }
0x29: {  	_ =	sdelay $0x3  }
0x2a: {  	s14 =	sand.u32 $0x4000, s10  }
0x2b: {  	s15 =	sor.u32 $0x40, s14  }
0x2c: {  	v1 =	vmov s15;
	_ =	sdelay $0x1  }
0x2d: {  	_ =	swait.ge [sflag:s4], $0x4000  }
0x2e: {  	[sflag:s4] =	ssyncset.done $0x0  }
0x2f: {  	[sflag:s4] =	ssyncadd.s32 $0xFFFFC000;
	s15 =	simm.s32 $0x0  }
0x30: {  	s14 =	sor.u32 $0x8070, s14;
	v7 =	vld.idx.msk [tilespmem:v1+s15+$0x30 ss:$0x1], $0xffff  }
0x31: {  	v0 =	vmov s14;
	v8 =	vld.idx.msk [tilespmem:v1+s15+$0xFFFFFFC0 ss:$0x1], $0xffff  }
0x32: {  	v6 =	vld.idx.msk [tilespmem:v1+s15+$0xFFFFFFD0 ss:$0x1], $0xffff  }
0x33: {  	v4 =	vld.idx.msk [tilespmem:v1+s15+$0xFFFFFFE0 ss:$0x1], $0xffff  }
0x34: {  	v2 =	vld.idx.msk [tilespmem:v1+s15+$0xFFFFFFF0 ss:$0x1], $0xffff  }
0x35: {  	s31 =	sshll.u32 s12, $0xE;
	v3 =	vld.idx.msk [tilespmem:v1+s15+$0x0 ss:$0x1], $0xffff  }
0x36: {  	s14 =	sand.u32 $0x4000, s31;
	v5 =	vld.idx.msk [tilespmem:v1+s15+$0x10 ss:$0x1], $0xffff;
	[tilespmem:v0+s15+$0x0 ss:$0x1] =	vst.idx.msk $0xffff, v7  }
0x37: {  	s16 =	simm.s32 $0x80;
	s17 =	simm.s32 $0x400;
	s14 =	sor.u32 $0x8000, s14;
	[tilespmem:v0+s15+$0xFFFFFF90 ss:$0x1] =	vst.idx.msk $0xffff, v8;
	v7 =	vld.idx.msk [tilespmem:v1+s15+$0x20 ss:$0x1], $0xffff  }
.LBB1_3:
0x38: {  	p0 =	sne.s32 s17, $0xFE00;
	v8 =	vld.idx.msk [tilespmem:v1+s16+$0x30 ss:$0x1], $0xffff;
	[tilespmem:v0+s15+$0xFFFFFFA0 ss:$0x1] =	vst.idx.msk $0xffff, v6  }
0x39: {  	v9 =	vld.idx.msk [tilespmem:v1+s16+$0xFFFFFFC0 ss:$0x1], $0xffff;
	[tilespmem:v0+s15+$0xFFFFFFB0 ss:$0x1] =	vst.idx.msk $0xffff, v4  }
0x3a: {  	v6 =	vld.idx.msk [tilespmem:v1+s16+$0xFFFFFFD0 ss:$0x1], $0xffff;
	[tilespmem:v0+s15+$0xFFFFFFC0 ss:$0x1] =	vst.idx.msk $0xffff, v2  }
.Ltmp3:
0x3b: {  	v4 =	vld.idx.msk [tilespmem:v1+s16+$0xFFFFFFE0 ss:$0x1], $0xffff;
	[tilespmem:v0+s15+$0xFFFFFFD0 ss:$0x1] =	vst.idx.msk $0xffff, v3;
	(pc) =	sbr.rel @p0 .LBB1_3-.Ltmp3, $4  }
0x3c: {  	v2 =	vld.idx.msk [tilespmem:v1+s16+$0xFFFFFFF0 ss:$0x1], $0xffff;
	[tilespmem:v0+s15+$0xFFFFFFE0 ss:$0x1] =	vst.idx.msk $0xffff, v5  }
0x3d: {  	v3 =	vld.idx.msk [tilespmem:v1+s16+$0x0 ss:$0x1], $0xffff;
	[tilespmem:v0+s15+$0xFFFFFFF0 ss:$0x1] =	vst.idx.msk $0xffff, v7;
	s15 =	smov.u32 s16  }
0x3e: {  	v5 =	vld.idx.msk [tilespmem:v1+s15+$0x10 ss:$0x1], $0xffff;
	[tilespmem:v0+s15+$0x0 ss:$0x1] =	vst.idx.msk $0xffff, v8  }
0x3f: {  	s16 =	sshra.s32 s17, $0x2;
	s17 =	sadd.s32 $0x200, s17;
	[tilespmem:v0+s15+$0xFFFFFF90 ss:$0x1] =	vst.idx.msk $0xffff, v9;
	v7 =	vld.idx.msk [tilespmem:v1+s15+$0x20 ss:$0x1], $0xffff  }
.Ltmp4:
0x40: {  	_ = 	snop;
	(pc) =	sbr.rel .LBB1_4-.Ltmp4, $1  }
0x41: {  	_ =	sdelay $0x3  }
.LBB1_6:
0x42: {  	_ =	sfence.sel $0x180000  }
0x43: {  	s2 =	simm.s32 $0x1;
	[bflag:$0x0] =	sbarrier.arrive $0xFFFF  }
0x44: {  	s31 =	simm.s32 $0x2;
	[sflag:s2] =	ssyncpa.u1 $0x1  }
0x45: {  	[sflag:s31] =	ssyncpa.u1 $0x1  }
0x46: {  	p0 =	sne.s32 s1, $0x0;
	_ =	strace $0x90000047  }
0x47: {  	s0 =	sadd.s32 @!p0 $0x100000, s0;
	[bflag:$0x2] =	sbarrier.arrive $0xFFFF  }
0x48: {  	[sflag:s0] =	ssyncadd.tile.s32 @!p0 $0x1;
	_ =	shalt  }
.Lfunc_end1:
_tile_overlayer_lowered:
.L_overlay_start_2:
0x49: {  	(tag) =	ssettag $0x2  }
0x4a: {  	s0 =	rddreg [dreg:$0x0];
	s2 =	stileid.u32  }
0x4b: {  	s1 =	rddreg [dreg:$0x1];
	p0 =	sne.s32 s2, $0x0  }
0x4c: {  	s3 =	rddreg [dreg:$0x2];
	[bflag:$0x3] =	sbarrier.arrive $0xFFFF;
	s2 =	simm.s32 @!p0 $0x1C01  }
0x4d: {  	[timem:s3], [sflag:s2] =	dma.local @!p0 [hbm:s0], s1  }
0x4e: {  	s0 =	simm.s32 @!p0 $0x1  }
0x4f: {  	_ =	swait.ge @!p0 [sflag:s0], s1  }
0x50: {  	s1 =	ssub.s32 @!p0 $0x0, s1;
	[sflag:s0] =	ssyncset.done @!p0 $0x0  }
0x51: {  	[sflag:s0] =	ssyncadd.s32 @!p0 s1  }
0x52: {  	[bflag:$0x3] =	sbarrier.arrive $0xFFFF  }
0x53: {  	_ =	shalt  }

</sc_bundles>
